<compile_context>
chip_gen: v7x
topology: tpu7x:2x2x1
jax: 0.10.2.dev20260603
libtpu: 0.0.44.dev20260713+nightly
codegen_flags: <defaults>
</compile_context>

<pallas_src>
import functools

import jax
import jax.numpy as jnp
from jax import lax
from jax.experimental import pallas as pl
from jax.experimental.pallas import tpu as pltpu
from jax.experimental.pallas import tpu_sc as plsc

_CH = 8
_NBUF = 3


def _build_gather(num_rows, vocab, hidden, nw):
    rows_per_w = num_rows // nw
    n_chunks = rows_per_w // _CH
    mesh = plsc.VectorSubcoreMesh(core_axis_name="c", subcore_axis_name="s")

    nbuf = _NBUF

    @functools.partial(
        pl.kernel,
        mesh=mesh,
        out_type=jax.ShapeDtypeStruct((num_rows, hidden), jnp.float32),
        scratch_types=(
            [pltpu.VMEM((n_chunks, _CH), jnp.int32)]
            + [pltpu.VMEM((_CH, hidden), jnp.float32)] * nbuf
            + [pltpu.SemaphoreType.DMA] * (2 * nbuf)
        ),
    )
    def gather_kernel(idx_hbm, table_hbm, out_hbm, idx_v, *scratch):
        bufs = scratch[:nbuf]
        gsems = scratch[nbuf:2 * nbuf]
        ssems = scratch[2 * nbuf:]
        nc = 2
        wid = lax.axis_index("s") * nc + lax.axis_index("c")
        base = wid * rows_per_w

        pltpu.sync_copy(idx_hbm.at[wid], idx_v)

        def start_gather(g, b):
            pltpu.make_async_copy(
                table_hbm.at[idx_v.at[g]], bufs[b], gsems[b]).start()

        def wait_gather(b):
            pltpu.make_async_copy(
                table_hbm.at[idx_v.at[0]], bufs[b], gsems[b]).wait()

        def start_scatter(g, b):
            pltpu.make_async_copy(
                bufs[b], out_hbm.at[pl.ds(base + g * _CH, _CH)],
                ssems[b]).start()

        def wait_scatter(b):
            pltpu.make_async_copy(
                bufs[b], out_hbm.at[pl.ds(base, _CH)], ssems[b]).wait()

        for b in range(nbuf):
            start_gather(b, b)

        n_iters = (n_chunks + nbuf - 1) // nbuf

        def body(i, carry):
            for b in range(nbuf):
                g = nbuf * i + b

                @pl.when(g < n_chunks)
                def _process(g=g, b=b):
                    wait_gather(b)
                    start_scatter(g, b)

                    @pl.when(g + nbuf < n_chunks)
                    def _refill():
                        wait_scatter(b)
                        start_gather(g + nbuf, b)

            return carry

        lax.fori_loop(0, n_iters, body, 0)

        for b in range(nbuf):
            wait_scatter(b)

    return gather_kernel


def kernel(position_ids, embedding_table):
    seq, batch = position_ids.shape
    vocab, hidden = embedding_table.shape
    num_rows = seq * batch

    info = plsc.get_sparse_core_info()
    nw = info.num_cores * info.num_subcores

    rows_per_w = num_rows // nw
    n_chunks = rows_per_w // _CH
    idx = jnp.transpose(position_ids.astype(jnp.int32), (1, 0))
    idx = idx.reshape(nw, n_chunks, _CH)

    out = _build_gather(num_rows, vocab, hidden, nw)(idx, embedding_table)
    return out.reshape(batch, seq, hidden)

# --- scband reference (transcript-rebuilt; emitter-appended) ---
"""Pipeline reference for scband-positional-embedding-16801912062838 (READ-ONLY COPY).

The authoritative reference and input builder live on the scoring server;
editing this copy changes nothing except your own understanding.
"""

import jax, jax.numpy as jnp
import numpy as np

SEQ_LEN = 4096
BATCH = 4
MAX_POS = 8192
HIDDEN = 4096

def setup_inputs(seed: int = 0) -> dict:
    key = jax.random.key(seed)
    k_idx, k_tab = jax.random.split(key)
    position_ids = jax.random.randint(k_idx, (SEQ_LEN, BATCH), 0, MAX_POS, dtype=jnp.int64 if jax.config.jax_enable_x64 else jnp.int32)
    embedding_table = jax.random.normal(k_tab, (MAX_POS, HIDDEN), dtype=jnp.float32) * 0.02
    return {"position_ids": position_ids, "embedding_table": embedding_table}

def reference(position_ids, embedding_table):
    # nn.Embedding lookup -> [seq_len, batch, hidden], then transpose(0, 1)
    emb = jnp.take(embedding_table, position_ids, axis=0)
    return jnp.transpose(emb, (1, 0, 2))

if __name__ == "__main__":
    import jax
    _d = setup_inputs()
    print(jax.jit(kernel)(*tuple(_d.values())))

</pallas_src>

<mosaic_0001>
#map = affine_map<(d0, d1) -> (0, 0, 0)>
#map1 = affine_map<(d0, d1) -> (0, 0)>
module attributes {stable_mosaic.version = 14 : i64} {
  func.func @gather_kernel(%arg0: i32, %arg1: i32, %arg2: memref<32x64x8xi32, #tpu.memory_space<hbm>>, %arg3: memref<8192x4096xf32, #tpu.memory_space<hbm>>, %arg4: memref<16384x4096xf32, #tpu.memory_space<hbm>>, %arg5: memref<64x8xi32, #tpu.memory_space<vmem>>, %arg6: memref<8x4096xf32, #tpu.memory_space<vmem>>, %arg7: memref<8x4096xf32, #tpu.memory_space<vmem>>, %arg8: memref<8x4096xf32, #tpu.memory_space<vmem>>, %arg9: memref<!tpu.dma_semaphore, #tpu.memory_space<semaphore_mem>>, %arg10: memref<!tpu.dma_semaphore, #tpu.memory_space<semaphore_mem>>, %arg11: memref<!tpu.dma_semaphore, #tpu.memory_space<semaphore_mem>>, %arg12: memref<!tpu.dma_semaphore, #tpu.memory_space<semaphore_mem>>, %arg13: memref<!tpu.dma_semaphore, #tpu.memory_space<semaphore_mem>>, %arg14: memref<!tpu.dma_semaphore, #tpu.memory_space<semaphore_mem>>) attributes {dimension_semantics = [#tpu.dimension_semantics<core_parallel>, #tpu.dimension_semantics<subcore_parallel>], iteration_bounds = array<i64: 2, 16>, scalar_prefetch = 0 : i64, scratch_operands = 10 : i64, tpu.core_type = #tpu.core_type<sc_vector_subcore>, window_params = [{transform_indices = #map}, {transform_indices = #map1}, {transform_indices = #map1}]} {
    %mul3A = arith.constant 2 : i32
    %mul3A_0 = arith.muli %arg1, %mul3A : i32
    %add3A = arith.addi %mul3A_0, %arg0 : i32
    %mul3A_1 = arith.constant 512 : i32
    %mul3A_2 = arith.muli %add3A, %mul3A_1 : i32
    "tpu.region"() ({
      %run_scoped3A = tpu.sem_alloc : memref<!tpu.dma_semaphore, #tpu.memory_space<semaphore_mem>>
      %dma_start3A_39 = arith.constant 0 : i32
      %dma_start3A_40 = arith.constant 0 : i32
      %dma_start3A_41 = tpu.memref_slice %arg2[%add3A, %dma_start3A_39, %dma_start3A_40] : memref<32x64x8xi32, #tpu.memory_space<hbm>> -> memref<1x64x8xi32, #tpu.memory_space<hbm>>
      %dma_start3A_42 = tpu.memref_squeeze %dma_start3A_41 : memref<1x64x8xi32, #tpu.memory_space<hbm>> -> memref<64x8xi32, #tpu.memory_space<hbm>>
      %dma_start3A_43 = arith.constant 0 : i32
      %dma_start3A_44 = arith.constant 0 : i32
      %dma_start3A_45 = tpu.memref_slice %arg2[%add3A, %dma_start3A_43, %dma_start3A_44] : memref<32x64x8xi32, #tpu.memory_space<hbm>> -> memref<1x64x8xi32, #tpu.memory_space<hbm>>
      %dma_start3A_46 = tpu.memref_squeeze %dma_start3A_45 : memref<1x64x8xi32, #tpu.memory_space<hbm>> -> memref<64x8xi32, #tpu.memory_space<hbm>>
      tpu.enqueue_dma source(%dma_start3A_46 : memref<64x8xi32, #tpu.memory_space<hbm>>) target(%arg5 : memref<64x8xi32, #tpu.memory_space<vmem>>) target_semaphore(%run_scoped3A : memref<!tpu.dma_semaphore, #tpu.memory_space<semaphore_mem>>)
      %dma_wait3A_47 = arith.constant 0 : i32
      %dma_wait3A_48 = arith.constant 0 : i32
      %dma_wait3A_49 = tpu.memref_slice %arg2[%add3A, %dma_wait3A_47, %dma_wait3A_48] : memref<32x64x8xi32, #tpu.memory_space<hbm>> -> memref<1x64x8xi32, #tpu.memory_space<hbm>>
      %dma_wait3A_50 = tpu.memref_squeeze %dma_wait3A_49 : memref<1x64x8xi32, #tpu.memory_space<hbm>> -> memref<64x8xi32, #tpu.memory_space<hbm>>
      %dma_wait3A_51 = arith.constant 0 : i32
      %dma_wait3A_52 = arith.constant 0 : i32
      %dma_wait3A_53 = tpu.memref_slice %arg2[%add3A, %dma_wait3A_51, %dma_wait3A_52] : memref<32x64x8xi32, #tpu.memory_space<hbm>> -> memref<1x64x8xi32, #tpu.memory_space<hbm>>
      %dma_wait3A_54 = tpu.memref_squeeze %dma_wait3A_53 : memref<1x64x8xi32, #tpu.memory_space<hbm>> -> memref<64x8xi32, #tpu.memory_space<hbm>>
      tpu.wait_dma2 semaphore(%run_scoped3A : memref<!tpu.dma_semaphore, #tpu.memory_space<semaphore_mem>>) src(%dma_wait3A_54 : memref<64x8xi32, #tpu.memory_space<hbm>>) dst(%arg5 : memref<64x8xi32, #tpu.memory_space<vmem>>)
      tpu.yield
    }) : () -> ()
    %dma_start3A = arith.constant 0 : i32
    %dma_start3A_3 = arith.constant 0 : i32
    %dma_start3A_4 = tpu.memref_slice %arg5[%dma_start3A, %dma_start3A_3] : memref<64x8xi32, #tpu.memory_space<vmem>> -> memref<1x8xi32, #tpu.memory_space<vmem>>
    %dma_start3A_5 = tpu.memref_squeeze %dma_start3A_4 : memref<1x8xi32, #tpu.memory_space<vmem>> -> memref<8xi32, #tpu.memory_space<vmem>>
    %dma_start3A_6 = arith.constant 0 : i32
    %dma_start3A_7 = arith.constant 0 : i32
    %dma_start3A_8 = tpu.memref_slice %arg3[%dma_start3A_6, %dma_start3A_7] : memref<8192x4096xf32, #tpu.memory_space<hbm>> -> memref<8192x4096xf32, #tpu.memory_space<hbm>>
    tpu.enqueue_indirect_dma source(%dma_start3A_8 : memref<8192x4096xf32, #tpu.memory_space<hbm>>) target(%arg6 : memref<8x4096xf32, #tpu.memory_space<vmem>>) offsets(%dma_start3A_5 : memref<8xi32, #tpu.memory_space<vmem>>) semaphore(%arg9 : memref<!tpu.dma_semaphore, #tpu.memory_space<semaphore_mem>>)
    %dma_start3A_9 = arith.constant 1 : i32
    %dma_start3A_10 = arith.constant 0 : i32
    %dma_start3A_11 = tpu.memref_slice %arg5[%dma_start3A_9, %dma_start3A_10] : memref<64x8xi32, #tpu.memory_space<vmem>> -> memref<1x8xi32, #tpu.memory_space<vmem>>
    %dma_start3A_12 = tpu.memref_squeeze %dma_start3A_11 : memref<1x8xi32, #tpu.memory_space<vmem>> -> memref<8xi32, #tpu.memory_space<vmem>>
    %dma_start3A_13 = arith.constant 0 : i32
    %dma_start3A_14 = arith.constant 0 : i32
    %dma_start3A_15 = tpu.memref_slice %arg3[%dma_start3A_13, %dma_start3A_14] : memref<8192x4096xf32, #tpu.memory_space<hbm>> -> memref<8192x4096xf32, #tpu.memory_space<hbm>>
    tpu.enqueue_indirect_dma source(%dma_start3A_15 : memref<8192x4096xf32, #tpu.memory_space<hbm>>) target(%arg7 : memref<8x4096xf32, #tpu.memory_space<vmem>>) offsets(%dma_start3A_12 : memref<8xi32, #tpu.memory_space<vmem>>) semaphore(%arg10 : memref<!tpu.dma_semaphore, #tpu.memory_space<semaphore_mem>>)
    %dma_start3A_16 = arith.constant 2 : i32
    %dma_start3A_17 = arith.constant 0 : i32
    %dma_start3A_18 = tpu.memref_slice %arg5[%dma_start3A_16, %dma_start3A_17] : memref<64x8xi32, #tpu.memory_space<vmem>> -> memref<1x8xi32, #tpu.memory_space<vmem>>
    %dma_start3A_19 = tpu.memref_squeeze %dma_start3A_18 : memref<1x8xi32, #tpu.memory_space<vmem>> -> memref<8xi32, #tpu.memory_space<vmem>>
    %dma_start3A_20 = arith.constant 0 : i32
    %dma_start3A_21 = arith.constant 0 : i32
    %dma_start3A_22 = tpu.memref_slice %arg3[%dma_start3A_20, %dma_start3A_21] : memref<8192x4096xf32, #tpu.memory_space<hbm>> -> memref<8192x4096xf32, #tpu.memory_space<hbm>>
    tpu.enqueue_indirect_dma source(%dma_start3A_22 : memref<8192x4096xf32, #tpu.memory_space<hbm>>) target(%arg8 : memref<8x4096xf32, #tpu.memory_space<vmem>>) offsets(%dma_start3A_19 : memref<8xi32, #tpu.memory_space<vmem>>) semaphore(%arg11 : memref<!tpu.dma_semaphore, #tpu.memory_space<semaphore_mem>>)
    %scan3A = arith.constant 0 : i32
    %scan3A_23 = arith.constant 0 : i32
    %scan3A_24 = arith.constant 22 : i32
    %scan3A_25 = arith.addi %scan3A_23, %scan3A_24 : i32
    %scan3A_26 = arith.constant 1 : i32
    scf.for %scan3A_39 = %scan3A_23 to %scan3A_25 step %scan3A_26  : i32 {
      %mul3A_40 = arith.constant 3 : i32
      %mul3A_41 = arith.muli %mul3A_40, %scan3A_39 : i32
      %add3A_42 = arith.constant 0 : i32
      %add3A_43 = arith.addi %mul3A_41, %add3A_42 : i32
      %lt3A = arith.constant 64 : i32
      %lt3A_44 = arith.cmpi slt, %add3A_43, %lt3A : i32
      %convert_element_type3A = arith.extui %lt3A_44 : i1 to i32
      %cond3A = arith.constant 0 : i32
      %cond3A_45 = arith.cmpi ne, %convert_element_type3A, %cond3A : i32
      scf.if %cond3A_45 {
        %dma_wait3A_64 = arith.constant 0 : i32
        %dma_wait3A_65 = arith.constant 0 : i32
        %dma_wait3A_66 = tpu.memref_slice %arg5[%dma_wait3A_64, %dma_wait3A_65] : memref<64x8xi32, #tpu.memory_space<vmem>> -> memref<1x8xi32, #tpu.memory_space<vmem>>
        %dma_wait3A_67 = tpu.memref_squeeze %dma_wait3A_66 : memref<1x8xi32, #tpu.memory_space<vmem>> -> memref<8xi32, #tpu.memory_space<vmem>>
        %dma_wait3A_68 = arith.constant 0 : i32
        %dma_wait3A_69 = arith.constant 0 : i32
        %dma_wait3A_70 = tpu.memref_slice %arg3[%dma_wait3A_68, %dma_wait3A_69] : memref<8192x4096xf32, #tpu.memory_space<hbm>> -> memref<8192x4096xf32, #tpu.memory_space<hbm>>
        tpu.wait_indirect_dma semaphore(%arg9 : memref<!tpu.dma_semaphore, #tpu.memory_space<semaphore_mem>>) src(%dma_wait3A_70 : memref<8192x4096xf32, #tpu.memory_space<hbm>>) dst(%arg6 : memref<8x4096xf32, #tpu.memory_space<vmem>>)
        %mul3A_71 = arith.constant 8 : i32
        %mul3A_72 = arith.muli %add3A_43, %mul3A_71 : i32
        %add3A_73 = arith.addi %mul3A_2, %mul3A_72 : i32
        %dma_start3A_74 = arith.constant 0 : i32
        %dma_start3A_75 = tpu.memref_slice %arg4[%add3A_73, %dma_start3A_74] : memref<16384x4096xf32, #tpu.memory_space<hbm>> -> memref<8x4096xf32, #tpu.memory_space<hbm>>
        %dma_start3A_76 = arith.constant 0 : i32
        %dma_start3A_77 = tpu.memref_slice %arg4[%add3A_73, %dma_start3A_76] : memref<16384x4096xf32, #tpu.memory_space<hbm>> -> memref<8x4096xf32, #tpu.memory_space<hbm>>
        tpu.enqueue_dma source(%arg6 : memref<8x4096xf32, #tpu.memory_space<vmem>>) target(%dma_start3A_77 : memref<8x4096xf32, #tpu.memory_space<hbm>>) target_semaphore(%arg12 : memref<!tpu.dma_semaphore, #tpu.memory_space<semaphore_mem>>)
        %add3A_78 = arith.constant 3 : i32
        %add3A_79 = arith.addi %add3A_43, %add3A_78 : i32
        %lt3A_80 = arith.constant 64 : i32
        %lt3A_81 = arith.cmpi slt, %add3A_79, %lt3A_80 : i32
        %convert_element_type3A_82 = arith.extui %lt3A_81 : i1 to i32
        %cond3A_83 = arith.constant 0 : i32
        %cond3A_84 = arith.cmpi ne, %convert_element_type3A_82, %cond3A_83 : i32
        scf.if %cond3A_84 {
          %dma_wait3A_85 = arith.constant 0 : i32
          %dma_wait3A_86 = tpu.memref_slice %arg4[%mul3A_2, %dma_wait3A_85] : memref<16384x4096xf32, #tpu.memory_space<hbm>> -> memref<8x4096xf32, #tpu.memory_space<hbm>>
          %dma_wait3A_87 = arith.constant 0 : i32
          %dma_wait3A_88 = tpu.memref_slice %arg4[%mul3A_2, %dma_wait3A_87] : memref<16384x4096xf32, #tpu.memory_space<hbm>> -> memref<8x4096xf32, #tpu.memory_space<hbm>>
          tpu.wait_dma2 semaphore(%arg12 : memref<!tpu.dma_semaphore, #tpu.memory_space<semaphore_mem>>) src(%arg6 : memref<8x4096xf32, #tpu.memory_space<vmem>>) dst(%dma_wait3A_88 : memref<8x4096xf32, #tpu.memory_space<hbm>>)
          %add3A_89 = arith.constant 3 : i32
          %add3A_90 = arith.addi %add3A_43, %add3A_89 : i32
          %dma_start3A_91 = arith.constant 0 : i32
          %dma_start3A_92 = tpu.memref_slice %arg5[%add3A_90, %dma_start3A_91] : memref<64x8xi32, #tpu.memory_space<vmem>> -> memref<1x8xi32, #tpu.memory_space<vmem>>
          %dma_start3A_93 = tpu.memref_squeeze %dma_start3A_92 : memref<1x8xi32, #tpu.memory_space<vmem>> -> memref<8xi32, #tpu.memory_space<vmem>>
          %dma_start3A_94 = arith.constant 0 : i32
          %dma_start3A_95 = arith.constant 0 : i32
          %dma_start3A_96 = tpu.memref_slice %arg3[%dma_start3A_94, %dma_start3A_95] : memref<8192x4096xf32, #tpu.memory_space<hbm>> -> memref<8192x4096xf32, #tpu.memory_space<hbm>>
          tpu.enqueue_indirect_dma source(%dma_start3A_96 : memref<8192x4096xf32, #tpu.memory_space<hbm>>) target(%arg6 : memref<8x4096xf32, #tpu.memory_space<vmem>>) offsets(%dma_start3A_93 : memref<8xi32, #tpu.memory_space<vmem>>) semaphore(%arg9 : memref<!tpu.dma_semaphore, #tpu.memory_space<semaphore_mem>>)
        } else {
        }
      } else {
      }
      %mul3A_46 = arith.constant 3 : i32
      %mul3A_47 = arith.muli %mul3A_46, %scan3A_39 : i32
      %add3A_48 = arith.constant 1 : i32
      %add3A_49 = arith.addi %mul3A_47, %add3A_48 : i32
      %lt3A_50 = arith.constant 64 : i32
      %lt3A_51 = arith.cmpi slt, %add3A_49, %lt3A_50 : i32
      %convert_element_type3A_52 = arith.extui %lt3A_51 : i1 to i32
      %cond3A_53 = arith.constant 0 : i32
      %cond3A_54 = arith.cmpi ne, %convert_element_type3A_52, %cond3A_53 : i32
      scf.if %cond3A_54 {
        %dma_wait3A_64 = arith.constant 0 : i32
        %dma_wait3A_65 = arith.constant 0 : i32
        %dma_wait3A_66 = tpu.memref_slice %arg5[%dma_wait3A_64, %dma_wait3A_65] : memref<64x8xi32, #tpu.memory_space<vmem>> -> memref<1x8xi32, #tpu.memory_space<vmem>>
        %dma_wait3A_67 = tpu.memref_squeeze %dma_wait3A_66 : memref<1x8xi32, #tpu.memory_space<vmem>> -> memref<8xi32, #tpu.memory_space<vmem>>
        %dma_wait3A_68 = arith.constant 0 : i32
        %dma_wait3A_69 = arith.constant 0 : i32
        %dma_wait3A_70 = tpu.memref_slice %arg3[%dma_wait3A_68, %dma_wait3A_69] : memref<8192x4096xf32, #tpu.memory_space<hbm>> -> memref<8192x4096xf32, #tpu.memory_space<hbm>>
        tpu.wait_indirect_dma semaphore(%arg10 : memref<!tpu.dma_semaphore, #tpu.memory_space<semaphore_mem>>) src(%dma_wait3A_70 : memref<8192x4096xf32, #tpu.memory_space<hbm>>) dst(%arg7 : memref<8x4096xf32, #tpu.memory_space<vmem>>)
        %mul3A_71 = arith.constant 8 : i32
        %mul3A_72 = arith.muli %add3A_49, %mul3A_71 : i32
        %add3A_73 = arith.addi %mul3A_2, %mul3A_72 : i32
        %dma_start3A_74 = arith.constant 0 : i32
        %dma_start3A_75 = tpu.memref_slice %arg4[%add3A_73, %dma_start3A_74] : memref<16384x4096xf32, #tpu.memory_space<hbm>> -> memref<8x4096xf32, #tpu.memory_space<hbm>>
        %dma_start3A_76 = arith.constant 0 : i32
        %dma_start3A_77 = tpu.memref_slice %arg4[%add3A_73, %dma_start3A_76] : memref<16384x4096xf32, #tpu.memory_space<hbm>> -> memref<8x4096xf32, #tpu.memory_space<hbm>>
        tpu.enqueue_dma source(%arg7 : memref<8x4096xf32, #tpu.memory_space<vmem>>) target(%dma_start3A_77 : memref<8x4096xf32, #tpu.memory_space<hbm>>) target_semaphore(%arg13 : memref<!tpu.dma_semaphore, #tpu.memory_space<semaphore_mem>>)
        %add3A_78 = arith.constant 3 : i32
        %add3A_79 = arith.addi %add3A_49, %add3A_78 : i32
        %lt3A_80 = arith.constant 64 : i32
        %lt3A_81 = arith.cmpi slt, %add3A_79, %lt3A_80 : i32
        %convert_element_type3A_82 = arith.extui %lt3A_81 : i1 to i32
        %cond3A_83 = arith.constant 0 : i32
        %cond3A_84 = arith.cmpi ne, %convert_element_type3A_82, %cond3A_83 : i32
        scf.if %cond3A_84 {
          %dma_wait3A_85 = arith.constant 0 : i32
          %dma_wait3A_86 = tpu.memref_slice %arg4[%mul3A_2, %dma_wait3A_85] : memref<16384x4096xf32, #tpu.memory_space<hbm>> -> memref<8x4096xf32, #tpu.memory_space<hbm>>
          %dma_wait3A_87 = arith.constant 0 : i32
          %dma_wait3A_88 = tpu.memref_slice %arg4[%mul3A_2, %dma_wait3A_87] : memref<16384x4096xf32, #tpu.memory_space<hbm>> -> memref<8x4096xf32, #tpu.memory_space<hbm>>
          tpu.wait_dma2 semaphore(%arg13 : memref<!tpu.dma_semaphore, #tpu.memory_space<semaphore_mem>>) src(%arg7 : memref<8x4096xf32, #tpu.memory_space<vmem>>) dst(%dma_wait3A_88 : memref<8x4096xf32, #tpu.memory_space<hbm>>)
          %add3A_89 = arith.constant 3 : i32
          %add3A_90 = arith.addi %add3A_49, %add3A_89 : i32
          %dma_start3A_91 = arith.constant 0 : i32
          %dma_start3A_92 = tpu.memref_slice %arg5[%add3A_90, %dma_start3A_91] : memref<64x8xi32, #tpu.memory_space<vmem>> -> memref<1x8xi32, #tpu.memory_space<vmem>>
          %dma_start3A_93 = tpu.memref_squeeze %dma_start3A_92 : memref<1x8xi32, #tpu.memory_space<vmem>> -> memref<8xi32, #tpu.memory_space<vmem>>
          %dma_start3A_94 = arith.constant 0 : i32
          %dma_start3A_95 = arith.constant 0 : i32
          %dma_start3A_96 = tpu.memref_slice %arg3[%dma_start3A_94, %dma_start3A_95] : memref<8192x4096xf32, #tpu.memory_space<hbm>> -> memref<8192x4096xf32, #tpu.memory_space<hbm>>
          tpu.enqueue_indirect_dma source(%dma_start3A_96 : memref<8192x4096xf32, #tpu.memory_space<hbm>>) target(%arg7 : memref<8x4096xf32, #tpu.memory_space<vmem>>) offsets(%dma_start3A_93 : memref<8xi32, #tpu.memory_space<vmem>>) semaphore(%arg10 : memref<!tpu.dma_semaphore, #tpu.memory_space<semaphore_mem>>)
        } else {
        }
      } else {
      }
      %mul3A_55 = arith.constant 3 : i32
      %mul3A_56 = arith.muli %mul3A_55, %scan3A_39 : i32
      %add3A_57 = arith.constant 2 : i32
      %add3A_58 = arith.addi %mul3A_56, %add3A_57 : i32
      %lt3A_59 = arith.constant 64 : i32
      %lt3A_60 = arith.cmpi slt, %add3A_58, %lt3A_59 : i32
      %convert_element_type3A_61 = arith.extui %lt3A_60 : i1 to i32
      %cond3A_62 = arith.constant 0 : i32
      %cond3A_63 = arith.cmpi ne, %convert_element_type3A_61, %cond3A_62 : i32
      scf.if %cond3A_63 {
        %dma_wait3A_64 = arith.constant 0 : i32
        %dma_wait3A_65 = arith.constant 0 : i32
        %dma_wait3A_66 = tpu.memref_slice %arg5[%dma_wait3A_64, %dma_wait3A_65] : memref<64x8xi32, #tpu.memory_space<vmem>> -> memref<1x8xi32, #tpu.memory_space<vmem>>
        %dma_wait3A_67 = tpu.memref_squeeze %dma_wait3A_66 : memref<1x8xi32, #tpu.memory_space<vmem>> -> memref<8xi32, #tpu.memory_space<vmem>>
        %dma_wait3A_68 = arith.constant 0 : i32
        %dma_wait3A_69 = arith.constant 0 : i32
        %dma_wait3A_70 = tpu.memref_slice %arg3[%dma_wait3A_68, %dma_wait3A_69] : memref<8192x4096xf32, #tpu.memory_space<hbm>> -> memref<8192x4096xf32, #tpu.memory_space<hbm>>
        tpu.wait_indirect_dma semaphore(%arg11 : memref<!tpu.dma_semaphore, #tpu.memory_space<semaphore_mem>>) src(%dma_wait3A_70 : memref<8192x4096xf32, #tpu.memory_space<hbm>>) dst(%arg8 : memref<8x4096xf32, #tpu.memory_space<vmem>>)
        %mul3A_71 = arith.constant 8 : i32
        %mul3A_72 = arith.muli %add3A_58, %mul3A_71 : i32
        %add3A_73 = arith.addi %mul3A_2, %mul3A_72 : i32
        %dma_start3A_74 = arith.constant 0 : i32
        %dma_start3A_75 = tpu.memref_slice %arg4[%add3A_73, %dma_start3A_74] : memref<16384x4096xf32, #tpu.memory_space<hbm>> -> memref<8x4096xf32, #tpu.memory_space<hbm>>
        %dma_start3A_76 = arith.constant 0 : i32
        %dma_start3A_77 = tpu.memref_slice %arg4[%add3A_73, %dma_start3A_76] : memref<16384x4096xf32, #tpu.memory_space<hbm>> -> memref<8x4096xf32, #tpu.memory_space<hbm>>
        tpu.enqueue_dma source(%arg8 : memref<8x4096xf32, #tpu.memory_space<vmem>>) target(%dma_start3A_77 : memref<8x4096xf32, #tpu.memory_space<hbm>>) target_semaphore(%arg14 : memref<!tpu.dma_semaphore, #tpu.memory_space<semaphore_mem>>)
        %add3A_78 = arith.constant 3 : i32
        %add3A_79 = arith.addi %add3A_58, %add3A_78 : i32
        %lt3A_80 = arith.constant 64 : i32
        %lt3A_81 = arith.cmpi slt, %add3A_79, %lt3A_80 : i32
        %convert_element_type3A_82 = arith.extui %lt3A_81 : i1 to i32
        %cond3A_83 = arith.constant 0 : i32
        %cond3A_84 = arith.cmpi ne, %convert_element_type3A_82, %cond3A_83 : i32
        scf.if %cond3A_84 {
          %dma_wait3A_85 = arith.constant 0 : i32
          %dma_wait3A_86 = tpu.memref_slice %arg4[%mul3A_2, %dma_wait3A_85] : memref<16384x4096xf32, #tpu.memory_space<hbm>> -> memref<8x4096xf32, #tpu.memory_space<hbm>>
          %dma_wait3A_87 = arith.constant 0 : i32
          %dma_wait3A_88 = tpu.memref_slice %arg4[%mul3A_2, %dma_wait3A_87] : memref<16384x4096xf32, #tpu.memory_space<hbm>> -> memref<8x4096xf32, #tpu.memory_space<hbm>>
          tpu.wait_dma2 semaphore(%arg14 : memref<!tpu.dma_semaphore, #tpu.memory_space<semaphore_mem>>) src(%arg8 : memref<8x4096xf32, #tpu.memory_space<vmem>>) dst(%dma_wait3A_88 : memref<8x4096xf32, #tpu.memory_space<hbm>>)
          %add3A_89 = arith.constant 3 : i32
          %add3A_90 = arith.addi %add3A_58, %add3A_89 : i32
          %dma_start3A_91 = arith.constant 0 : i32
          %dma_start3A_92 = tpu.memref_slice %arg5[%add3A_90, %dma_start3A_91] : memref<64x8xi32, #tpu.memory_space<vmem>> -> memref<1x8xi32, #tpu.memory_space<vmem>>
          %dma_start3A_93 = tpu.memref_squeeze %dma_start3A_92 : memref<1x8xi32, #tpu.memory_space<vmem>> -> memref<8xi32, #tpu.memory_space<vmem>>
          %dma_start3A_94 = arith.constant 0 : i32
          %dma_start3A_95 = arith.constant 0 : i32
          %dma_start3A_96 = tpu.memref_slice %arg3[%dma_start3A_94, %dma_start3A_95] : memref<8192x4096xf32, #tpu.memory_space<hbm>> -> memref<8192x4096xf32, #tpu.memory_space<hbm>>
          tpu.enqueue_indirect_dma source(%dma_start3A_96 : memref<8192x4096xf32, #tpu.memory_space<hbm>>) target(%arg8 : memref<8x4096xf32, #tpu.memory_space<vmem>>) offsets(%dma_start3A_93 : memref<8xi32, #tpu.memory_space<vmem>>) semaphore(%arg11 : memref<!tpu.dma_semaphore, #tpu.memory_space<semaphore_mem>>)
        } else {
        }
      } else {
      }
    }
    %scan3A_27 = arith.constant 22 : i32
    %dma_wait3A = arith.constant 0 : i32
    %dma_wait3A_28 = tpu.memref_slice %arg4[%mul3A_2, %dma_wait3A] : memref<16384x4096xf32, #tpu.memory_space<hbm>> -> memref<8x4096xf32, #tpu.memory_space<hbm>>
    %dma_wait3A_29 = arith.constant 0 : i32
    %dma_wait3A_30 = tpu.memref_slice %arg4[%mul3A_2, %dma_wait3A_29] : memref<16384x4096xf32, #tpu.memory_space<hbm>> -> memref<8x4096xf32, #tpu.memory_space<hbm>>
    tpu.wait_dma2 semaphore(%arg12 : memref<!tpu.dma_semaphore, #tpu.memory_space<semaphore_mem>>) src(%arg6 : memref<8x4096xf32, #tpu.memory_space<vmem>>) dst(%dma_wait3A_30 : memref<8x4096xf32, #tpu.memory_space<hbm>>)
    %dma_wait3A_31 = arith.constant 0 : i32
    %dma_wait3A_32 = tpu.memref_slice %arg4[%mul3A_2, %dma_wait3A_31] : memref<16384x4096xf32, #tpu.memory_space<hbm>> -> memref<8x4096xf32, #tpu.memory_space<hbm>>
    %dma_wait3A_33 = arith.constant 0 : i32
    %dma_wait3A_34 = tpu.memref_slice %arg4[%mul3A_2, %dma_wait3A_33] : memref<16384x4096xf32, #tpu.memory_space<hbm>> -> memref<8x4096xf32, #tpu.memory_space<hbm>>
    tpu.wait_dma2 semaphore(%arg13 : memref<!tpu.dma_semaphore, #tpu.memory_space<semaphore_mem>>) src(%arg7 : memref<8x4096xf32, #tpu.memory_space<vmem>>) dst(%dma_wait3A_34 : memref<8x4096xf32, #tpu.memory_space<hbm>>)
    %dma_wait3A_35 = arith.constant 0 : i32
    %dma_wait3A_36 = tpu.memref_slice %arg4[%mul3A_2, %dma_wait3A_35] : memref<16384x4096xf32, #tpu.memory_space<hbm>> -> memref<8x4096xf32, #tpu.memory_space<hbm>>
    %dma_wait3A_37 = arith.constant 0 : i32
    %dma_wait3A_38 = tpu.memref_slice %arg4[%mul3A_2, %dma_wait3A_37] : memref<16384x4096xf32, #tpu.memory_space<hbm>> -> memref<8x4096xf32, #tpu.memory_space<hbm>>
    tpu.wait_dma2 semaphore(%arg14 : memref<!tpu.dma_semaphore, #tpu.memory_space<semaphore_mem>>) src(%arg8 : memref<8x4096xf32, #tpu.memory_space<vmem>>) dst(%dma_wait3A_38 : memref<8x4096xf32, #tpu.memory_space<hbm>>)
    return
  }
}

</mosaic_0001>

<sc_bundles>
// kernel: kernel.3.cloned.1.call-start
scs
__scs_entry_jumppad:
0x0: {  	(pc) =	sbr.rel $0x88, $3  }
0x1: {  	(tag) =	ssettag $0x0;
	lr =	simm.s32 $0x1  }
0x2: {  	[smem:$0x3F9F] =	sst lr;
	_ =	strace $0xD0000000  }
0x3: {  	_ = 	snop  }
0x4: {  	_ = 	snop  }
0x5: {  	_ = 	snop  }
0x6: {  	_ = 	snop  }
0x7: {  	_ = 	snop  }
__scs_overlays_trampoline_lowered:
0x8: {  	[smem:$0x3FAE] =	sst s0  }
0x9: {  	[smem:$0x3FAF] =	sst s1  }
0xa: {  	[smem:$0x3FB0] =	sst s2  }
0xb: {  	[smem:$0x3FB1] =	sst s3  }
0xc: {  	[smem:$0x3FB2] =	sst s4  }
0xd: {  	[smem:$0x3FB3] =	sst s5  }
0xe: {  	[smem:$0x3FB4] =	sst s6  }
0xf: {  	[smem:$0x3FB5] =	sst s7  }
0x10: {  	[smem:$0x3FB6] =	sst s8  }
0x11: {  	[smem:$0x3FB7] =	sst s9;
	s0 =	simm.s32 @!p0 $0x0  }
0x12: {  	s1 =	sld [smem:$0x3F9D];
	s0 =	simm.s32 @p0 $0x1  }
0x13: {  	[smem:$0x3FB8] =	sst s0;
	s0 =	simm.s32 @!p1 $0x0  }
0x14: {  	s2 =	sld [smem:$0x3F9C];
	s0 =	simm.s32 @p1 $0x1  }
0x15: {  	[smem:$0x3FB9] =	sst s0;
	s0 =	simm.s32 @!p2 $0x0  }
0x16: {  	s3 =	sld [smem:$0x3FDB];
	s0 =	simm.s32 @p2 $0x1  }
0x17: {  	s4 =	simm.s32 $0x1BF5;
	[smem:$0x3FBB] =	sst s0  }
0x18: {  	s0 =	sld [smem:$0x3F9E];
	_ =	swait.ge [sflag:s4], $0x0  }
0x19: {  	s7 =	sld [smem:$0x3F9F]  }
0x1a: {  	s8 =	sadd.s32 $0xFFFFE003, lr  }
0x1b: {  	s9 =	sadd.s32 $0xFFFFFEF7, lr;
	s5 =	simm.s32 $0xFFFFFFFF;
	p2 =	slt.u32 s8, $0xFFFFF086  }
0x1c: {  	p1 =	slt.u32 s9, $0xF7A;
	s5 =	simm.s32 @!p2 $0x0  }
0x1d: {  	s5 =	simm.s32 @p1 $0x1;
	p0 =	seq.s32 s7, s2  }
0x1e: {  	s7 =	smul.u32 @!p0 $0xF7A, s2;
	p2 =	seq.s32 @!p0 s5, $0x0  }
0x1f: {  	s9 =	smul.u32 $0xF7A, s1;
	s8 =	simm.s32 @!p0 $0x1BF5;
	p2 =	por !p2, p0  }
0x20: {  	[sflag:s8] =	ssyncset.s32 @!p0 $0xFFFFF086;
	s6 =	sadd.s32 @!p0 s3, s7;
	s7 =	simm.s32 @!p0 $0x108  }
0x21: {  	s3 =	sadd.s32 s3, s9;
	s6 =	sadd.s32 @!p0 $0x88, s6;
	s7 =	simm.s32 @p2 $0x1082  }
0x22: {  	[simem:s7], [sflag:s8] =	dma.local @!p0 [hbm:s6], $0xF7A  }
0x23: {  	s9 =	sor.u32 $0xD0000000, s2;
	s6 =	simm.s32 $0x108;
	_ =	swait.ge @!p0 [sflag:s8], $0x0  }
0x24: {  	s3 =	sadd.s32 $0x88, s3;
	s6 =	simm.s32 @!p1 $0x1082;
	[sflag:s4] =	ssyncset.s32 $0xFFFFF086  }
0x25: {  	[simem:s6], [sflag:s4] =	dma.local [hbm:s3], $0xF7A  }
0x26: {  	[smem:$0x3F9F] =	sst s1;
	(tag) =	ssettag s2;
	_ =	strace s9  }
0x27: {  	s1 =	sld [smem:$0x3FAF]  }
0x28: {  	s2 =	sld [smem:$0x3FB0]  }
0x29: {  	s4 =	sld [smem:$0x3FB2]  }
0x2a: {  	p0 =	seq.s32 s5, $0x0;
	s5 =	sld [smem:$0x3FB3]  }
0x2b: {  	s6 =	sld [smem:$0x3FB4]  }
0x2c: {  	s7 =	sld [smem:$0x3FB5]  }
0x2d: {  	s3 =	simm.s32 $0x108;
	s8 =	sld [smem:$0x3FB6]  }
0x2e: {  	s3 =	simm.s32 @!p0 $0x1082;
	s9 =	sld [smem:$0x3FB7]  }
0x2f: {  	lr =	sadd.s32 s0, s3;
	s0 =	sld [smem:$0x3FAE]  }
0x30: {  	s3 =	sld [smem:$0x3FB1]  }
0x31: {  	[smem:$0x3FBA] =	sst s10  }
0x32: {  	s10 =	sld [smem:$0x3FB8];
	_ =	sdelay $0x3  }
0x33: {  	p0 =	seq.s32 s10, $0x1;
	s10 =	sld [smem:$0x3FBA];
	_ =	sdelay $0x3  }
0x34: {  	[smem:$0x3FBA] =	sst s10  }
0x35: {  	s10 =	sld [smem:$0x3FB9];
	_ =	sdelay $0x3  }
0x36: {  	p1 =	seq.s32 s10, $0x1;
	s10 =	sld [smem:$0x3FBA];
	_ =	sdelay $0x3  }
0x37: {  	[smem:$0x3FBA] =	sst s10  }
0x38: {  	s10 =	sld [smem:$0x3FBB]  }
0x39: {  	_ = 	snop;
	(pc) =	sbr.ind lr, $3  }
0x3a: {  	_ = 	snop  }
0x3b: {  	_ = 	snop  }
0x3c: {  	p2 =	seq.s32 s10, $0x1;
	s10 =	sld [smem:$0x3FBA]  }
0x3d: {  	_ =	shalt  }
0x3e: {  	_ =	shalt  }
0x3f: {  	_ =	shalt  }
0x40: {  	_ =	shalt  }
0x41: {  	_ =	shalt  }
0x42: {  	_ =	shalt  }
0x43: {  	_ =	shalt  }
0x44: {  	_ =	shalt  }
0x45: {  	_ =	shalt  }
0x46: {  	_ =	shalt  }
0x47: {  	_ =	shalt  }
0x48: {  	_ =	shalt  }
0x49: {  	_ =	shalt  }
0x4a: {  	_ =	shalt  }
0x4b: {  	_ =	shalt  }
0x4c: {  	_ =	shalt  }
0x4d: {  	_ =	shalt  }
0x4e: {  	_ =	shalt  }
0x4f: {  	_ =	shalt  }
0x50: {  	_ =	shalt  }
0x51: {  	_ =	shalt  }
0x52: {  	_ =	shalt  }
0x53: {  	_ =	shalt  }
0x54: {  	_ =	shalt  }
0x55: {  	_ =	shalt  }
0x56: {  	_ =	shalt  }
0x57: {  	_ =	shalt  }
0x58: {  	_ =	shalt  }
0x59: {  	_ =	shalt  }
0x5a: {  	_ =	shalt  }
0x5b: {  	_ =	shalt  }
0x5c: {  	_ =	shalt  }
0x5d: {  	_ =	shalt  }
0x5e: {  	_ =	shalt  }
0x5f: {  	_ =	shalt  }
0x60: {  	_ =	shalt  }
0x61: {  	_ =	shalt  }
0x62: {  	_ =	shalt  }
0x63: {  	_ =	shalt  }
0x64: {  	_ =	shalt  }
0x65: {  	_ =	shalt  }
0x66: {  	_ =	shalt  }
0x67: {  	_ =	shalt  }
0x68: {  	_ =	shalt  }
0x69: {  	_ =	shalt  }
0x6a: {  	_ =	shalt  }
0x6b: {  	_ =	shalt  }
0x6c: {  	_ =	shalt  }
0x6d: {  	_ =	shalt  }
0x6e: {  	_ =	shalt  }
0x6f: {  	_ =	shalt  }
0x70: {  	_ =	shalt  }
0x71: {  	_ =	shalt  }
0x72: {  	_ =	shalt  }
0x73: {  	_ =	shalt  }
0x74: {  	_ =	shalt  }
0x75: {  	_ =	shalt  }
0x76: {  	_ =	shalt  }
0x77: {  	_ =	shalt  }
0x78: {  	_ =	shalt  }
0x79: {  	_ =	shalt  }
0x7a: {  	_ =	shalt  }
0x7b: {  	_ =	shalt  }
0x7c: {  	_ =	shalt  }
0x7d: {  	_ =	shalt  }
0x7e: {  	_ =	shalt  }
0x7f: {  	_ =	shalt  }
0x80: {  	_ =	shalt  }
0x81: {  	_ =	shalt  }
0x82: {  	_ =	shalt  }
0x83: {  	_ =	shalt  }
0x84: {  	_ =	shalt  }
0x85: {  	_ =	shalt  }
0x86: {  	_ =	shalt  }
0x87: {  	_ =	shalt  }
.Lfunc_end0:
.L_simem_size_0:
called_computation_lowered:
.L_overlay_start_0:
0x88: {  	s2 =	sld [smem:$0x3FD9]  }
0x89: {  	s3 =	sld [smem:$0x3FFE];
	_ =	sdelay $0x1  }
0x8a: {  	s1 =	srdreg.scid  }
0x8b: {  	s0 =	sand.u32 $0x1, s1  }
0x8c: {  	s17 =	sshll.u32 s0, $0xA;
	s2 =	sadd.s32 s3, s2  }
0x8d: {  	s2 =	sadd.s32 s2, s17  }
0x8e: {  	[smem:$0x3FC6] =	sst s2  }
0x8f: {  	_ = 	snop  }
0x90: {  	s2 =	sld [smem:$0x3FC8]  }
0x91: {  	s18 =	sld [smem:$0x3FD0];
	(tm) =	ssettm $0x1  }
0x92: {  	s4 =	sld [smem:$0x3FFB];
	_ =	sdelay $0x3  }
0x93: {  	_ =	strace s4  }
0x94: {  	s4 =	sld [smem:$0x3FFC];
	_ =	sdelay $0x3  }
0x95: {  	_ =	strace s4  }
0x96: {  	s4 =	sld [smem:$0x3FFD];
	_ =	sdelay $0x3  }
0x97: {  	_ =	strace s4  }
0x98: {  	_ =	strace $0x8FFFFFFF  }
0x99: {  	s19 =	sld [smem:$0x3FDB];
	_ =	sdelay $0x1  }
0x9a: {  	s5 =	simm.s32 $_scs_section_size  }
0x9b: {  	s6 =	simm.s32 $_size__tile_overlayer_lowered;
	s7 =	simm.s32 $_tile_overlayer_lowered  }
0x9c: {  	s22 =	simm.s32 $0x1BFF;
	s21 =	sshll.u32 s7, $0x1;
	s4 =	sadd.s32 s5, s19  }
0x9d: {  	s8 =	simm.s32 $0x0;
	s20 =	sshll.u32 s6, $0x1;
	s6 =	sadd.s32 s21, s4  }
0x9e: {  	[timem:s8], [sflag:s22] =	dma.local [hbm:s6], s20  }
0x9f: {  	_ =	swait.ge [sflag:s22], s20  }
0xa0: {  	s5 =	ssub.s32 $0x0, s20;
	[sflag:s22] =	ssyncset.done $0x0  }
0xa1: {  	[sflag:s22] =	ssyncadd.s32 s5;
	_ =	sdelay $0x1  }
0xa2: {  	s23 =	simm.s32 $0x1B8B  }
0xa3: {  	_ =	swait.ge [sflag:s23], $0x1  }
0xa4: {  	[sflag:s23] =	ssyncset.done $0x0  }
0xa5: {  	s25 =	simm.s32 $0x1B8E;
	s24 =	sld [smem:$0x3FFE];
	[sflag:s23] =	ssyncadd.s32 $0xFFFFFFFF  }
0xa6: {  	s26 =	simm.s32 $execute0_lowered;
	[smem:$0x3FD2] =	sst s25  }
0xa7: {  	s6 =	sshll.u32 s26, $0x1;
	_ =	strace $0x80000046;
	[dreg:$0x1] =	wrdreg $0xFFFFFFFF  }
0xa8: {  	s28 =	simm.s32 $_size_execute0_lowered;
	s4 =	sadd.s32 s4, s6;
	[dreg:$0x0] =	wrdreg $0x0  }
0xa9: {  	s6 =	sshll.u32 s28, $0x1;
	[dreg:$0x2] =	wrdreg s4  }
0xaa: {  	[dreg:$0x3] =	wrdreg s6  }
0xab: {  	[dreg:$0x4] =	wrdreg $0xC0  }
0xac: {  	_ =	task [dreg:s8], $0x5FFFF  }
0xad: {  	[dreg:$0x1] =	wrdreg $0xFFFFFFFF  }
0xae: {  	[dreg:$0x0] =	wrdreg $0x60  }
0xaf: {  	[dreg:$0x2] =	wrdreg s24  }
0xb0: {  	[dreg:$0x3] =	wrdreg s2  }
0xb1: {  	[dreg:$0x4] =	wrdreg s18  }
0xb2: {  	[dreg:$0x5] =	wrdreg $0x9  }
0xb3: {  	_ =	task.clear_ibuf [dreg:s8], $0x6FFFF;
	_ =	strace $0x90000046  }
0xb4: {  	s29 =	simm.s32 $0x9;
	_ =	strace $0x80000048  }
0xb5: {  	_ =	swait.ge [sflag:s29], $0x1  }
0xb6: {  	[sflag:s29] =	ssyncadd.s32 $0xFFFFFFFF  }
0xb7: {  	_ =	strace $0x90000048  }
0xb8: {  	_ =	sfence  }
0xb9: {  	s30 =	sld [smem:$0x0];
	_ =	sdelay $0x2  }
0xba: {  	s31 =	sshll.u32 s1, $0xD;
	s1 =	sshrl.u32 s1, $0x2  }
0xbb: {  	s3 =	sand.u32 $0x4000, s31;
	s1 =	sadd.s32 s1, s30  }
0xbc: {  	s0 =	sor.u32 s3, s0;
	s1 =	sshll.u32 s1, $0x11  }
0xbd: {  	s0 =	sor.u32 s1, s0  }
0xbe: {  	s0 =	sadd.s32 $0x8F2B, s0  }
0xbf: {  	[sflag:s0] =	ssyncadd.remote.s32 $0x1  }
0xc0: {  	_ =	sfence.sel $0xFFFF  }
0xc1: {  	[dreg:$0x0] =	wrdreg $0xFFFFFFFF;
	(pc) =	sbr.abs _section_cstart, $3  }
0xc2: {  	[dreg:$0x1] =	wrdreg $0xFFFFFFFF  }
0xc3: {  	_ =	task.clear_ibuf [dreg:s8], $0x2FFFF;
	_ =	strace $0x9FFFFFFF  }
0xc4: {  	(tm) =	ssettm $0x7FFFFFFF  }
0xc5: {  	_ =	shalt  }
tec
execute0_lowered:
.L_overlay_start_1:
0x0: {  	(tag) =	ssettag $0x1  }
0x1: {  	s0 =	rddreg [dreg:$0x0]  }
0x2: {  	s29 =	rddreg [dreg:$0x1]  }
0x3: {  	s1 =	rddreg [dreg:$0x2]  }
0x4: {  	s3 =	srdreg.scid;
	s21 =	stileid.u32;
	s23 =	simm.s32 $0x2000  }
0x5: {  	s2 =	simm.s32 $0x12000;
	s30 =	simm.s32 $0x1;
	s31 =	simm.s32 $0x4  }
0x6: {  	s4 =	sand.u32 $0x1, s3;
	s3 =	simm.s32 $0x0;
	s5 =	sshll.u32 s21, $0xB  }
0x7: {  	s7 =	sadd.s32 $0x300, s29;
	s8 =	sadd.s32 $0x400, s29;
	s9 =	sadd.s32 $0x500, s29  }
0x8: {  	s10 =	sadd.s32 $0x600, s29;
	s11 =	sadd.s32 $0x700, s29;
	s12 =	sadd.s32 $0x800, s29  }
0x9: {  	s13 =	sadd.s32 $0x900, s29;
	s14 =	sadd.s32 $0xA00, s29;
	s15 =	sadd.s32 $0xB00, s29  }
0xa: {  	s16 =	sadd.s32 $0xC00, s29;
	s17 =	sadd.s32 $0xD00, s29;
	s18 =	sadd.s32 $0xE00, s29  }
0xb: {  	s19 =	sadd.s32 $0xF00, s29;
	s26 =	sshll.u32 s21, $0x13;
	s21 =	simm.s32 $0x0  }
0xc: {  	s6 =	sshll.u32 s4, $0xA;
	[smem:$0x7FF] =	sst s3;
	s24 =	ssub.s32 $0x2, s4  }
0xd: {  	s28 =	sshll.u32 s4, $0x12;
	s4 =	simm.s32 $0x2;
	s5 =	sor.u32 s6, s5  }
0xe: {  	_ =	strace $0x80000047;
	s25 =	sshrl.u32 s24, $0x1;
	s6 =	sadd.s32 $0x200, s29  }
.Ltmp0:
0xf: {  	s0 =	sadd.s32 s5, s0;
	s20 =	ssub.s32 s24, s25;
	(pc) =	sbr.rel .LBB2_1-.Ltmp0, $4  }
0x10: {  	s5 =	sadd.s32 $0x100, s29;
	s24 =	simm.s32 $0xA000;
	s0 =	sadd.s32 $0x400, s0  }
0x11: {  	v0 =	vlaneseq.u32;
	s20 =	smax.u32 s20, $0x1;
	[dreg:$0x4] =	wrdreg s0;
	s0 =	sadd.s32 s26, s1  }
0x12: {  	v1 =	vshrl.u32 v0, $0x3;
	[dreg:$0x5] =	wrdreg s20;
	s1 =	simm.s32 $0x6;
	s0 =	sadd.s32 s28, s0  }
0x13: {  	vm0 =	vmmov $0xffff;
	v0 =	vand.u32 $0x7, v0;
	v1 =	vmul.u32 $0x8, v1;
	s20 =	simm.s32 $0x3;
	[dreg:$0x6] =	wrdreg s0;
	s0 =	simm.s32 $0x5  }
.LBB2_7:
0x14: {  	_ =	swait.ge [sflag:s31], $0x8000  }
0x15: {  	[sflag:s31] =	ssyncset.done $0x0  }
0x16: {  	[sflag:s31] =	ssyncadd.s32 $0xFFFF8000  }
0x17: {  	_ =	swait.ge [sflag:s0], $0x8000  }
0x18: {  	[sflag:s0] =	ssyncset.done $0x0  }
0x19: {  	[sflag:s0] =	ssyncadd.s32 $0xFFFF8000  }
0x1a: {  	_ =	swait.ge [sflag:s1], $0x8000  }
0x1b: {  	s21 =	rddreg [dreg:$0x7]  }
0x1c: {  	s22 =	rddreg [dreg:$0x5];
	s21 =	sadd.s32 $0x1, s21  }
0x1d: {  	p0 =	sne.s32 s21, s22  }
.Ltmp1:
0x1e: {  	_ = 	snop;
	(pc) =	sbr.rel @!p0 .LBB2_8-.Ltmp1, $3  }
0x1f: {  	_ =	sdelay $0x1  }
0x20: {  	[sflag:s1] =	ssyncset.done $0x0  }
0x21: {  	s24 =	simm.s32 $0xA000;
	[sflag:s1] =	ssyncadd.s32 $0xFFFF8000  }
.LBB2_1:
0x22: {  	[dreg:$0x7] =	wrdreg s21  }
0x23: {  	s22 =	rddreg [dreg:$0x4];
	s25 =	simm.s32 $0x7  }
0x24: {  	[tilespmem:s3], [sflag:$0x7] =	stream.linear.gather [hbm4b:s22+s3], $0x2000, $0x38;
	[tilespmem:$0x1A000] =	vst v63  }
0x25: {  	_ =	swait.ge [sflag:s25], $0x2000  }
0x26: {  	[sflag:s25] =	ssyncset.done $0x0  }
0x27: {  	[sflag:s25] =	ssyncadd.s32 $0xFFFFE000  }
0x28: {  	v2 =	vld.msk [tilespmem:$0x0], $0xff;
	_ =	sdelay $0x4  }
0x29: {  	v3 =	vshll.u32 v2, $0x5  }
0x2a: {  	v2 =	vand.u32 $0x7, v2;
	v3 =	vand.u32 $0xFFFFFF00, v3  }
0x2b: {  	v2 =	vor.u32 v2, v3  }
0x2c: {  	v2 =	vperm.xlane v2, v0;
	_ =	sdelay $0x1  }
0x2d: {  	v2 =	vadd.s32 v1, v2;
	_ =	sdelay $0x4  }
0x2e: {  	[tilespmem:s23], [sflag:$0x1] =	stream.indirect_vreg.gather [hbm4b:s29+s3], $0x80, v2, vm0, $0xb8;
	[tilespmem:$0x1A000] =	vst v63  }
0x2f: {  	s26 =	simm.s32 $0x2800  }
0x30: {  	[tilespmem:s26], [sflag:$0x1] =	stream.indirect_vreg.gather [hbm4b:s5+s3], $0x80, v2, vm0, $0xb8;
	[tilespmem:$0x1A000] =	vst v63  }
0x31: {  	s28 =	simm.s32 $0x3000  }
0x32: {  	[tilespmem:s28], [sflag:$0x1] =	stream.indirect_vreg.gather [hbm4b:s6+s3], $0x80, v2, vm0, $0xb8;
	[tilespmem:$0x1A000] =	vst v63  }
0x33: {  	s21 =	simm.s32 $0x3800  }
0x34: {  	[tilespmem:s21], [sflag:$0x1] =	stream.indirect_vreg.gather [hbm4b:s7+s3], $0x80, v2, vm0, $0xb8;
	[tilespmem:$0x1A000] =	vst v63  }
0x35: {  	s25 =	simm.s32 $0x4000  }
0x36: {  	[tilespmem:s25], [sflag:$0x1] =	stream.indirect_vreg.gather [hbm4b:s8+s3], $0x80, v2, vm0, $0xb8;
	[tilespmem:$0x1A000] =	vst v63  }
0x37: {  	s26 =	simm.s32 $0x4800  }
0x38: {  	[tilespmem:s26], [sflag:$0x1] =	stream.indirect_vreg.gather [hbm4b:s9+s3], $0x80, v2, vm0, $0xb8;
	[tilespmem:$0x1A000] =	vst v63  }
0x39: {  	s28 =	simm.s32 $0x5000  }
0x3a: {  	[tilespmem:s28], [sflag:$0x1] =	stream.indirect_vreg.gather [hbm4b:s10+s3], $0x80, v2, vm0, $0xb8;
	[tilespmem:$0x1A000] =	vst v63  }
0x3b: {  	s21 =	simm.s32 $0x5800  }
0x3c: {  	[tilespmem:s21], [sflag:$0x1] =	stream.indirect_vreg.gather [hbm4b:s11+s3], $0x80, v2, vm0, $0xb8;
	[tilespmem:$0x1A000] =	vst v63  }
0x3d: {  	s25 =	simm.s32 $0x6000  }
0x3e: {  	[tilespmem:s25], [sflag:$0x1] =	stream.indirect_vreg.gather [hbm4b:s12+s3], $0x80, v2, vm0, $0xb8;
	[tilespmem:$0x1A000] =	vst v63  }
0x3f: {  	s26 =	simm.s32 $0x6800  }
0x40: {  	[tilespmem:s26], [sflag:$0x1] =	stream.indirect_vreg.gather [hbm4b:s13+s3], $0x80, v2, vm0, $0xb8;
	[tilespmem:$0x1A000] =	vst v63  }
0x41: {  	s28 =	simm.s32 $0x7000  }
0x42: {  	[tilespmem:s28], [sflag:$0x1] =	stream.indirect_vreg.gather [hbm4b:s14+s3], $0x80, v2, vm0, $0xb8;
	[tilespmem:$0x1A000] =	vst v63  }
0x43: {  	s21 =	simm.s32 $0x7800  }
0x44: {  	[tilespmem:s21], [sflag:$0x1] =	stream.indirect_vreg.gather [hbm4b:s15+s3], $0x80, v2, vm0, $0xb8;
	[tilespmem:$0x1A000] =	vst v63  }
0x45: {  	s25 =	simm.s32 $0x8000  }
0x46: {  	[tilespmem:s25], [sflag:$0x1] =	stream.indirect_vreg.gather [hbm4b:s16+s3], $0x80, v2, vm0, $0xb8;
	[tilespmem:$0x1A000] =	vst v63  }
0x47: {  	s26 =	simm.s32 $0x8800  }
0x48: {  	[tilespmem:s26], [sflag:$0x1] =	stream.indirect_vreg.gather [hbm4b:s17+s3], $0x80, v2, vm0, $0xb8;
	[tilespmem:$0x1A000] =	vst v63  }
0x49: {  	s28 =	simm.s32 $0x9000  }
0x4a: {  	[tilespmem:s28], [sflag:$0x1] =	stream.indirect_vreg.gather [hbm4b:s18+s3], $0x80, v2, vm0, $0xb8;
	[tilespmem:$0x1A000] =	vst v63  }
0x4b: {  	s21 =	simm.s32 $0x9800  }
0x4c: {  	[tilespmem:s21], [sflag:$0x1] =	stream.indirect_vreg.gather [hbm4b:s19+s3], $0x80, v2, vm0, $0xb8;
	[tilespmem:$0x1A000] =	vst v63  }
0x4d: {  	v2 =	vld.msk [tilespmem:$0x80], $0xff;
	_ =	sdelay $0x4  }
0x4e: {  	v3 =	vshll.u32 v2, $0x5  }
0x4f: {  	v2 =	vand.u32 $0x7, v2;
	v3 =	vand.u32 $0xFFFFFF00, v3  }
0x50: {  	v2 =	vor.u32 v2, v3  }
0x51: {  	v2 =	vperm.xlane v2, v0;
	_ =	sdelay $0x1  }
0x52: {  	v2 =	vadd.s32 v1, v2;
	_ =	sdelay $0x4  }
0x53: {  	[tilespmem:s24], [sflag:$0x2] =	stream.indirect_vreg.gather [hbm4b:s29+s3], $0x80, v2, vm0, $0xb8;
	[tilespmem:$0x1A000] =	vst v63  }
0x54: {  	s24 =	simm.s32 $0xA800  }
0x55: {  	[tilespmem:s24], [sflag:$0x2] =	stream.indirect_vreg.gather [hbm4b:s5+s3], $0x80, v2, vm0, $0xb8;
	[tilespmem:$0x1A000] =	vst v63  }
0x56: {  	s25 =	simm.s32 $0xB000  }
0x57: {  	[tilespmem:s25], [sflag:$0x2] =	stream.indirect_vreg.gather [hbm4b:s6+s3], $0x80, v2, vm0, $0xb8;
	[tilespmem:$0x1A000] =	vst v63  }
0x58: {  	s26 =	simm.s32 $0xB800  }
0x59: {  	[tilespmem:s26], [sflag:$0x2] =	stream.indirect_vreg.gather [hbm4b:s7+s3], $0x80, v2, vm0, $0xb8;
	[tilespmem:$0x1A000] =	vst v63  }
0x5a: {  	s28 =	simm.s32 $0xC000  }
0x5b: {  	[tilespmem:s28], [sflag:$0x2] =	stream.indirect_vreg.gather [hbm4b:s8+s3], $0x80, v2, vm0, $0xb8;
	[tilespmem:$0x1A000] =	vst v63  }
0x5c: {  	s21 =	simm.s32 $0xC800  }
0x5d: {  	[tilespmem:s21], [sflag:$0x2] =	stream.indirect_vreg.gather [hbm4b:s9+s3], $0x80, v2, vm0, $0xb8;
	[tilespmem:$0x1A000] =	vst v63  }
0x5e: {  	s24 =	simm.s32 $0xD000  }
0x5f: {  	[tilespmem:s24], [sflag:$0x2] =	stream.indirect_vreg.gather [hbm4b:s10+s3], $0x80, v2, vm0, $0xb8;
	[tilespmem:$0x1A000] =	vst v63  }
0x60: {  	s25 =	simm.s32 $0xD800  }
0x61: {  	[tilespmem:s25], [sflag:$0x2] =	stream.indirect_vreg.gather [hbm4b:s11+s3], $0x80, v2, vm0, $0xb8;
	[tilespmem:$0x1A000] =	vst v63  }
0x62: {  	s26 =	simm.s32 $0xE000  }
0x63: {  	[tilespmem:s26], [sflag:$0x2] =	stream.indirect_vreg.gather [hbm4b:s12+s3], $0x80, v2, vm0, $0xb8;
	[tilespmem:$0x1A000] =	vst v63  }
0x64: {  	s28 =	simm.s32 $0xE800  }
0x65: {  	[tilespmem:s28], [sflag:$0x2] =	stream.indirect_vreg.gather [hbm4b:s13+s3], $0x80, v2, vm0, $0xb8;
	[tilespmem:$0x1A000] =	vst v63  }
0x66: {  	s21 =	simm.s32 $0xF000  }
0x67: {  	[tilespmem:s21], [sflag:$0x2] =	stream.indirect_vreg.gather [hbm4b:s14+s3], $0x80, v2, vm0, $0xb8;
	[tilespmem:$0x1A000] =	vst v63  }
0x68: {  	s24 =	simm.s32 $0xF800  }
0x69: {  	[tilespmem:s24], [sflag:$0x2] =	stream.indirect_vreg.gather [hbm4b:s15+s3], $0x80, v2, vm0, $0xb8;
	[tilespmem:$0x1A000] =	vst v63  }
0x6a: {  	s25 =	simm.s32 $0x10000  }
0x6b: {  	[tilespmem:s25], [sflag:$0x2] =	stream.indirect_vreg.gather [hbm4b:s16+s3], $0x80, v2, vm0, $0xb8;
	[tilespmem:$0x1A000] =	vst v63  }
0x6c: {  	s26 =	simm.s32 $0x10800  }
0x6d: {  	[tilespmem:s26], [sflag:$0x2] =	stream.indirect_vreg.gather [hbm4b:s17+s3], $0x80, v2, vm0, $0xb8;
	[tilespmem:$0x1A000] =	vst v63  }
0x6e: {  	s28 =	simm.s32 $0x11000  }
0x6f: {  	[tilespmem:s28], [sflag:$0x2] =	stream.indirect_vreg.gather [hbm4b:s18+s3], $0x80, v2, vm0, $0xb8;
	[tilespmem:$0x1A000] =	vst v63  }
0x70: {  	s21 =	simm.s32 $0x11800  }
0x71: {  	[tilespmem:s21], [sflag:$0x2] =	stream.indirect_vreg.gather [hbm4b:s19+s3], $0x80, v2, vm0, $0xb8;
	[tilespmem:$0x1A000] =	vst v63  }
0x72: {  	v2 =	vld.msk [tilespmem:$0x100], $0xff;
	_ =	sdelay $0x4  }
0x73: {  	v3 =	vshll.u32 v2, $0x5  }
0x74: {  	v2 =	vand.u32 $0x7, v2;
	v3 =	vand.u32 $0xFFFFFF00, v3  }
0x75: {  	v2 =	vor.u32 v2, v3  }
0x76: {  	v2 =	vperm.xlane v2, v0;
	_ =	sdelay $0x1  }
0x77: {  	v2 =	vadd.s32 v1, v2;
	_ =	sdelay $0x4  }
0x78: {  	[tilespmem:s2], [sflag:$0x3] =	stream.indirect_vreg.gather [hbm4b:s29+s3], $0x80, v2, vm0, $0xb8;
	[tilespmem:$0x1A000] =	vst v63  }
0x79: {  	s22 =	simm.s32 $0x12800  }
0x7a: {  	[tilespmem:s22], [sflag:$0x3] =	stream.indirect_vreg.gather [hbm4b:s5+s3], $0x80, v2, vm0, $0xb8;
	[tilespmem:$0x1A000] =	vst v63  }
0x7b: {  	s24 =	simm.s32 $0x13000  }
0x7c: {  	[tilespmem:s24], [sflag:$0x3] =	stream.indirect_vreg.gather [hbm4b:s6+s3], $0x80, v2, vm0, $0xb8;
	[tilespmem:$0x1A000] =	vst v63  }
0x7d: {  	s25 =	simm.s32 $0x13800  }
0x7e: {  	[tilespmem:s25], [sflag:$0x3] =	stream.indirect_vreg.gather [hbm4b:s7+s3], $0x80, v2, vm0, $0xb8;
	[tilespmem:$0x1A000] =	vst v63  }
0x7f: {  	s26 =	simm.s32 $0x14000  }
0x80: {  	[tilespmem:s26], [sflag:$0x3] =	stream.indirect_vreg.gather [hbm4b:s8+s3], $0x80, v2, vm0, $0xb8;
	[tilespmem:$0x1A000] =	vst v63  }
0x81: {  	s28 =	simm.s32 $0x14800  }
0x82: {  	[tilespmem:s28], [sflag:$0x3] =	stream.indirect_vreg.gather [hbm4b:s9+s3], $0x80, v2, vm0, $0xb8;
	[tilespmem:$0x1A000] =	vst v63  }
0x83: {  	s22 =	simm.s32 $0x15000  }
0x84: {  	[tilespmem:s22], [sflag:$0x3] =	stream.indirect_vreg.gather [hbm4b:s10+s3], $0x80, v2, vm0, $0xb8;
	[tilespmem:$0x1A000] =	vst v63  }
0x85: {  	s24 =	simm.s32 $0x15800  }
0x86: {  	[tilespmem:s24], [sflag:$0x3] =	stream.indirect_vreg.gather [hbm4b:s11+s3], $0x80, v2, vm0, $0xb8;
	[tilespmem:$0x1A000] =	vst v63  }
0x87: {  	s25 =	simm.s32 $0x16000  }
0x88: {  	[tilespmem:s25], [sflag:$0x3] =	stream.indirect_vreg.gather [hbm4b:s12+s3], $0x80, v2, vm0, $0xb8;
	[tilespmem:$0x1A000] =	vst v63  }
0x89: {  	s26 =	simm.s32 $0x16800  }
0x8a: {  	[tilespmem:s26], [sflag:$0x3] =	stream.indirect_vreg.gather [hbm4b:s13+s3], $0x80, v2, vm0, $0xb8;
	[tilespmem:$0x1A000] =	vst v63  }
0x8b: {  	s28 =	simm.s32 $0x17000  }
0x8c: {  	[tilespmem:s28], [sflag:$0x3] =	stream.indirect_vreg.gather [hbm4b:s14+s3], $0x80, v2, vm0, $0xb8;
	[tilespmem:$0x1A000] =	vst v63  }
0x8d: {  	s22 =	simm.s32 $0x17800  }
0x8e: {  	[tilespmem:s22], [sflag:$0x3] =	stream.indirect_vreg.gather [hbm4b:s15+s3], $0x80, v2, vm0, $0xb8;
	[tilespmem:$0x1A000] =	vst v63  }
0x8f: {  	s24 =	simm.s32 $0x18000  }
0x90: {  	[tilespmem:s24], [sflag:$0x3] =	stream.indirect_vreg.gather [hbm4b:s16+s3], $0x80, v2, vm0, $0xb8;
	[tilespmem:$0x1A000] =	vst v63  }
0x91: {  	s25 =	simm.s32 $0x18800  }
0x92: {  	[tilespmem:s25], [sflag:$0x3] =	stream.indirect_vreg.gather [hbm4b:s17+s3], $0x80, v2, vm0, $0xb8;
	[tilespmem:$0x1A000] =	vst v63  }
.Ltmp2:
0x93: {  	_ = 	snop;
	(pc) =	sbr.rel .LBB2_2-.Ltmp2, $4  }
0x94: {  	s26 =	simm.s32 $0x19000;
	s28 =	simm.s32 $0x19800  }
0x95: {  	[tilespmem:s26], [sflag:$0x3] =	stream.indirect_vreg.gather [hbm4b:s18+s3], $0x80, v2, vm0, $0xb8;
	[tilespmem:$0x1A000] =	vst v63  }
0x96: {  	s22 =	simm.s32 $0x0;
	s24 =	simm.s32 $0x280;
	s25 =	simm.s32 $0x0  }
0x97: {  	[tilespmem:s28], [sflag:$0x3] =	stream.indirect_vreg.gather [hbm4b:s19+s3], $0x80, v2, vm0, $0xb8;
	[tilespmem:$0x1A000] =	vst v63  }
.LBB2_5:
0x98: {  	_ =	swait.ge [sflag:s20], $0x8000  }
0x99: {  	[sflag:s20] =	ssyncset.done $0x0  }
0x9a: {  	s26 =	sadd.s32 $0x2000, s26;
	s29 =	smov.u32 s21;
	[sflag:s20] =	ssyncadd.s32 $0xFFFF8000  }
0x9b: {  	[hbm4b:s26+s3] =	stream.linear.scatter [tilespmem:s2], [sflag:$0x6], $0x8000, $0x38;
	[tilespmem:$0x1A000] =	vst v63  }
.LBB2_6:
0x9c: {  	s25 =	sadd.s32 $0x3000, s25  }
0x9d: {  	p0 =	sne.s32 s25, $0x42000  }
.Ltmp3:
0x9e: {  	_ = 	snop;
	(pc) =	sbr.rel @!p0 .LBB2_7-.Ltmp3, $2  }
0x9f: {  	_ =	sdelay $0x2  }
0xa0: {  	s22 =	sadd.s32 $0x1, s22;
	s24 =	sadd.s32 $0x180, s24  }
.LBB2_2:
0xa1: {  	p0 =	seq.s32 s25, $0x3F000  }
.Ltmp4:
0xa2: {  	_ = 	snop;
	(pc) =	sbr.rel @p0 .LBB2_7-.Ltmp4, $4  }
0xa3: {  	_ =	swait.ge [sflag:s30], $0x8000  }
0xa4: {  	[sflag:s30] =	ssyncset.done $0x0;
	s21 =	rddreg [dreg:$0x6]  }
0xa5: {  	[sflag:s30] =	ssyncadd.s32 $0xFFFF8000;
	s26 =	sadd.s32 s25, s21  }
0xa6: {  	[hbm4b:s26+s3] =	stream.linear.scatter [tilespmem:s23], [sflag:$0x4], $0x8000, $0x38;
	[tilespmem:$0x1A000] =	vst v63  }
0xa7: {  	_ =	swait.ge [sflag:s31], $0x8000  }
0xa8: {  	[sflag:s31] =	ssyncset.done $0x0  }
0xa9: {  	[sflag:s31] =	ssyncadd.s32 $0xFFFF8000  }
0xaa: {  	v2 =	vld.msk [tilespmem:s24+$0xFFFFFF00], $0xff;
	_ =	sdelay $0x4  }
0xab: {  	v3 =	vshll.u32 v2, $0x5  }
0xac: {  	v2 =	vand.u32 $0x7, v2;
	v3 =	vand.u32 $0xFFFFFF00, v3  }
0xad: {  	v2 =	vor.u32 v2, v3  }
0xae: {  	v2 =	vperm.xlane v2, v0;
	_ =	sdelay $0x1  }
0xaf: {  	v2 =	vadd.s32 v1, v2;
	_ =	sdelay $0x4  }
0xb0: {  	[tilespmem:s23], [sflag:$0x1] =	stream.indirect_vreg.gather [hbm4b:s29+s3], $0x80, v2, vm0, $0xb8;
	[tilespmem:$0x1A000] =	vst v63  }
0xb1: {  	s28 =	simm.s32 $0x2800  }
0xb2: {  	[tilespmem:s28], [sflag:$0x1] =	stream.indirect_vreg.gather [hbm4b:s5+s3], $0x80, v2, vm0, $0xb8;
	[tilespmem:$0x1A000] =	vst v63  }
0xb3: {  	s28 =	simm.s32 $0x3000  }
0xb4: {  	[tilespmem:s28], [sflag:$0x1] =	stream.indirect_vreg.gather [hbm4b:s6+s3], $0x80, v2, vm0, $0xb8;
	[tilespmem:$0x1A000] =	vst v63  }
0xb5: {  	s28 =	simm.s32 $0x3800  }
0xb6: {  	[tilespmem:s28], [sflag:$0x1] =	stream.indirect_vreg.gather [hbm4b:s7+s3], $0x80, v2, vm0, $0xb8;
	[tilespmem:$0x1A000] =	vst v63  }
0xb7: {  	s28 =	simm.s32 $0x4000  }
0xb8: {  	[tilespmem:s28], [sflag:$0x1] =	stream.indirect_vreg.gather [hbm4b:s8+s3], $0x80, v2, vm0, $0xb8;
	[tilespmem:$0x1A000] =	vst v63  }
0xb9: {  	s28 =	simm.s32 $0x4800  }
0xba: {  	[tilespmem:s28], [sflag:$0x1] =	stream.indirect_vreg.gather [hbm4b:s9+s3], $0x80, v2, vm0, $0xb8;
	[tilespmem:$0x1A000] =	vst v63  }
0xbb: {  	s28 =	simm.s32 $0x5000  }
0xbc: {  	[tilespmem:s28], [sflag:$0x1] =	stream.indirect_vreg.gather [hbm4b:s10+s3], $0x80, v2, vm0, $0xb8;
	[tilespmem:$0x1A000] =	vst v63  }
0xbd: {  	s28 =	simm.s32 $0x5800  }
0xbe: {  	[tilespmem:s28], [sflag:$0x1] =	stream.indirect_vreg.gather [hbm4b:s11+s3], $0x80, v2, vm0, $0xb8;
	[tilespmem:$0x1A000] =	vst v63  }
0xbf: {  	s28 =	simm.s32 $0x6000  }
0xc0: {  	[tilespmem:s28], [sflag:$0x1] =	stream.indirect_vreg.gather [hbm4b:s12+s3], $0x80, v2, vm0, $0xb8;
	[tilespmem:$0x1A000] =	vst v63  }
0xc1: {  	s28 =	simm.s32 $0x6800  }
0xc2: {  	[tilespmem:s28], [sflag:$0x1] =	stream.indirect_vreg.gather [hbm4b:s13+s3], $0x80, v2, vm0, $0xb8;
	[tilespmem:$0x1A000] =	vst v63  }
0xc3: {  	s28 =	simm.s32 $0x7000  }
0xc4: {  	[tilespmem:s28], [sflag:$0x1] =	stream.indirect_vreg.gather [hbm4b:s14+s3], $0x80, v2, vm0, $0xb8;
	[tilespmem:$0x1A000] =	vst v63  }
0xc5: {  	s28 =	simm.s32 $0x7800  }
0xc6: {  	[tilespmem:s28], [sflag:$0x1] =	stream.indirect_vreg.gather [hbm4b:s15+s3], $0x80, v2, vm0, $0xb8;
	[tilespmem:$0x1A000] =	vst v63  }
0xc7: {  	s28 =	simm.s32 $0x8000  }
0xc8: {  	[tilespmem:s28], [sflag:$0x1] =	stream.indirect_vreg.gather [hbm4b:s16+s3], $0x80, v2, vm0, $0xb8;
	[tilespmem:$0x1A000] =	vst v63  }
0xc9: {  	s28 =	simm.s32 $0x8800  }
0xca: {  	[tilespmem:s28], [sflag:$0x1] =	stream.indirect_vreg.gather [hbm4b:s17+s3], $0x80, v2, vm0, $0xb8;
	[tilespmem:$0x1A000] =	vst v63  }
0xcb: {  	s28 =	simm.s32 $0x9000  }
0xcc: {  	[tilespmem:s28], [sflag:$0x1] =	stream.indirect_vreg.gather [hbm4b:s18+s3], $0x80, v2, vm0, $0xb8;
	[tilespmem:$0x1A000] =	vst v63  }
0xcd: {  	p0 =	sgt.u32 s22, $0x13;
	s28 =	simm.s32 $0x9800  }
0xce: {  	[tilespmem:s28], [sflag:$0x1] =	stream.indirect_vreg.gather [hbm4b:s19+s3], $0x80, v2, vm0, $0xb8;
	[tilespmem:$0x1A000] =	vst v63  }
.Ltmp5:
0xcf: {  	_ =	swait.ge [sflag:s4], $0x8000;
	(pc) =	sbr.rel @p0 .LBB2_5-.Ltmp5, $4  }
0xd0: {  	s21 =	smov.u32 s29;
	[sflag:s4] =	ssyncset.done $0x0  }
0xd1: {  	s29 =	simm.s32 $0xA000;
	s28 =	sadd.s32 $0x1000, s26;
	[sflag:s4] =	ssyncadd.s32 $0xFFFF8000  }
0xd2: {  	[hbm4b:s28+s3] =	stream.linear.scatter [tilespmem:s29], [sflag:$0x5], $0x8000, $0x38;
	[tilespmem:$0x1A000] =	vst v63  }
0xd3: {  	s28 =	simm.s32 $0xA000  }
0xd4: {  	_ =	swait.ge [sflag:s0], $0x8000  }
0xd5: {  	[sflag:s0] =	ssyncset.done $0x0  }
0xd6: {  	[sflag:s0] =	ssyncadd.s32 $0xFFFF8000  }
0xd7: {  	v2 =	vld.msk [tilespmem:s24+$0xFFFFFF80], $0xff;
	_ =	sdelay $0x4  }
0xd8: {  	v3 =	vshll.u32 v2, $0x5  }
0xd9: {  	v2 =	vand.u32 $0x7, v2;
	v3 =	vand.u32 $0xFFFFFF00, v3  }
0xda: {  	v2 =	vor.u32 v2, v3  }
0xdb: {  	v2 =	vperm.xlane v2, v0;
	_ =	sdelay $0x1  }
0xdc: {  	v2 =	vadd.s32 v1, v2;
	_ =	sdelay $0x4  }
0xdd: {  	[tilespmem:s28], [sflag:$0x2] =	stream.indirect_vreg.gather [hbm4b:s21+s3], $0x80, v2, vm0, $0xb8;
	[tilespmem:$0x1A000] =	vst v63  }
0xde: {  	s2 =	simm.s32 $0xA800  }
0xdf: {  	[tilespmem:s2], [sflag:$0x2] =	stream.indirect_vreg.gather [hbm4b:s5+s3], $0x80, v2, vm0, $0xb8;
	[tilespmem:$0x1A000] =	vst v63  }
0xe0: {  	s2 =	simm.s32 $0xB000  }
0xe1: {  	[tilespmem:s2], [sflag:$0x2] =	stream.indirect_vreg.gather [hbm4b:s6+s3], $0x80, v2, vm0, $0xb8;
	[tilespmem:$0x1A000] =	vst v63  }
0xe2: {  	s2 =	simm.s32 $0xB800  }
0xe3: {  	[tilespmem:s2], [sflag:$0x2] =	stream.indirect_vreg.gather [hbm4b:s7+s3], $0x80, v2, vm0, $0xb8;
	[tilespmem:$0x1A000] =	vst v63  }
0xe4: {  	s2 =	simm.s32 $0xC000  }
0xe5: {  	[tilespmem:s2], [sflag:$0x2] =	stream.indirect_vreg.gather [hbm4b:s8+s3], $0x80, v2, vm0, $0xb8;
	[tilespmem:$0x1A000] =	vst v63  }
0xe6: {  	s2 =	simm.s32 $0xC800  }
0xe7: {  	[tilespmem:s2], [sflag:$0x2] =	stream.indirect_vreg.gather [hbm4b:s9+s3], $0x80, v2, vm0, $0xb8;
	[tilespmem:$0x1A000] =	vst v63  }
0xe8: {  	s2 =	simm.s32 $0xD000  }
0xe9: {  	[tilespmem:s2], [sflag:$0x2] =	stream.indirect_vreg.gather [hbm4b:s10+s3], $0x80, v2, vm0, $0xb8;
	[tilespmem:$0x1A000] =	vst v63  }
0xea: {  	s2 =	simm.s32 $0xD800  }
0xeb: {  	[tilespmem:s2], [sflag:$0x2] =	stream.indirect_vreg.gather [hbm4b:s11+s3], $0x80, v2, vm0, $0xb8;
	[tilespmem:$0x1A000] =	vst v63  }
0xec: {  	s2 =	simm.s32 $0xE000  }
0xed: {  	[tilespmem:s2], [sflag:$0x2] =	stream.indirect_vreg.gather [hbm4b:s12+s3], $0x80, v2, vm0, $0xb8;
	[tilespmem:$0x1A000] =	vst v63  }
0xee: {  	s2 =	simm.s32 $0xE800  }
0xef: {  	[tilespmem:s2], [sflag:$0x2] =	stream.indirect_vreg.gather [hbm4b:s13+s3], $0x80, v2, vm0, $0xb8;
	[tilespmem:$0x1A000] =	vst v63  }
0xf0: {  	s2 =	simm.s32 $0xF000  }
0xf1: {  	[tilespmem:s2], [sflag:$0x2] =	stream.indirect_vreg.gather [hbm4b:s14+s3], $0x80, v2, vm0, $0xb8;
	[tilespmem:$0x1A000] =	vst v63  }
0xf2: {  	s2 =	simm.s32 $0xF800  }
0xf3: {  	[tilespmem:s2], [sflag:$0x2] =	stream.indirect_vreg.gather [hbm4b:s15+s3], $0x80, v2, vm0, $0xb8;
	[tilespmem:$0x1A000] =	vst v63  }
0xf4: {  	s2 =	simm.s32 $0x10000  }
0xf5: {  	[tilespmem:s2], [sflag:$0x2] =	stream.indirect_vreg.gather [hbm4b:s16+s3], $0x80, v2, vm0, $0xb8;
	[tilespmem:$0x1A000] =	vst v63  }
0xf6: {  	s2 =	simm.s32 $0x10800  }
0xf7: {  	[tilespmem:s2], [sflag:$0x2] =	stream.indirect_vreg.gather [hbm4b:s17+s3], $0x80, v2, vm0, $0xb8;
	[tilespmem:$0x1A000] =	vst v63  }
0xf8: {  	s2 =	simm.s32 $0x11000  }
0xf9: {  	[tilespmem:s2], [sflag:$0x2] =	stream.indirect_vreg.gather [hbm4b:s18+s3], $0x80, v2, vm0, $0xb8;
	[tilespmem:$0x1A000] =	vst v63  }
0xfa: {  	s2 =	simm.s32 $0x11800  }
0xfb: {  	[tilespmem:s2], [sflag:$0x2] =	stream.indirect_vreg.gather [hbm4b:s19+s3], $0x80, v2, vm0, $0xb8;
	[tilespmem:$0x1A000] =	vst v63  }
0xfc: {  	_ =	swait.ge [sflag:s20], $0x8000  }
0xfd: {  	[sflag:s20] =	ssyncset.done $0x0  }
0xfe: {  	s26 =	sadd.s32 $0x2000, s26;
	s28 =	simm.s32 $0x12000;
	[sflag:s20] =	ssyncadd.s32 $0xFFFF8000  }
0xff: {  	[hbm4b:s26+s3] =	stream.linear.scatter [tilespmem:s28], [sflag:$0x6], $0x8000, $0x38;
	[tilespmem:$0x1A000] =	vst v63  }
0x100: {  	_ =	swait.ge [sflag:s1], $0x8000  }
0x101: {  	[sflag:s1] =	ssyncset.done $0x0  }
0x102: {  	[sflag:s1] =	ssyncadd.s32 $0xFFFF8000  }
0x103: {  	v2 =	vld.msk [tilespmem:s24+$0x0], $0xff;
	_ =	sdelay $0x4  }
0x104: {  	v3 =	vshll.u32 v2, $0x5  }
0x105: {  	v2 =	vand.u32 $0x7, v2;
	v3 =	vand.u32 $0xFFFFFF00, v3  }
0x106: {  	v2 =	vor.u32 v2, v3  }
0x107: {  	v2 =	vperm.xlane v2, v0;
	_ =	sdelay $0x1  }
0x108: {  	v2 =	vadd.s32 v1, v2;
	_ =	sdelay $0x4  }
0x109: {  	[tilespmem:s28], [sflag:$0x3] =	stream.indirect_vreg.gather [hbm4b:s21+s3], $0x80, v2, vm0, $0xb8;
	[tilespmem:$0x1A000] =	vst v63  }
0x10a: {  	s28 =	simm.s32 $0x12800  }
0x10b: {  	[tilespmem:s28], [sflag:$0x3] =	stream.indirect_vreg.gather [hbm4b:s5+s3], $0x80, v2, vm0, $0xb8;
	[tilespmem:$0x1A000] =	vst v63  }
0x10c: {  	s28 =	simm.s32 $0x13000  }
0x10d: {  	[tilespmem:s28], [sflag:$0x3] =	stream.indirect_vreg.gather [hbm4b:s6+s3], $0x80, v2, vm0, $0xb8;
	[tilespmem:$0x1A000] =	vst v63  }
0x10e: {  	s28 =	simm.s32 $0x13800  }
0x10f: {  	[tilespmem:s28], [sflag:$0x3] =	stream.indirect_vreg.gather [hbm4b:s7+s3], $0x80, v2, vm0, $0xb8;
	[tilespmem:$0x1A000] =	vst v63  }
0x110: {  	s28 =	simm.s32 $0x14000  }
0x111: {  	[tilespmem:s28], [sflag:$0x3] =	stream.indirect_vreg.gather [hbm4b:s8+s3], $0x80, v2, vm0, $0xb8;
	[tilespmem:$0x1A000] =	vst v63  }
0x112: {  	s28 =	simm.s32 $0x14800  }
0x113: {  	[tilespmem:s28], [sflag:$0x3] =	stream.indirect_vreg.gather [hbm4b:s9+s3], $0x80, v2, vm0, $0xb8;
	[tilespmem:$0x1A000] =	vst v63  }
0x114: {  	s28 =	simm.s32 $0x15000  }
0x115: {  	[tilespmem:s28], [sflag:$0x3] =	stream.indirect_vreg.gather [hbm4b:s10+s3], $0x80, v2, vm0, $0xb8;
	[tilespmem:$0x1A000] =	vst v63  }
0x116: {  	s28 =	simm.s32 $0x15800  }
0x117: {  	[tilespmem:s28], [sflag:$0x3] =	stream.indirect_vreg.gather [hbm4b:s11+s3], $0x80, v2, vm0, $0xb8;
	[tilespmem:$0x1A000] =	vst v63  }
0x118: {  	s28 =	simm.s32 $0x16000  }
0x119: {  	[tilespmem:s28], [sflag:$0x3] =	stream.indirect_vreg.gather [hbm4b:s12+s3], $0x80, v2, vm0, $0xb8;
	[tilespmem:$0x1A000] =	vst v63  }
0x11a: {  	s28 =	simm.s32 $0x16800  }
0x11b: {  	[tilespmem:s28], [sflag:$0x3] =	stream.indirect_vreg.gather [hbm4b:s13+s3], $0x80, v2, vm0, $0xb8;
	[tilespmem:$0x1A000] =	vst v63  }
0x11c: {  	s28 =	simm.s32 $0x17000  }
0x11d: {  	[tilespmem:s28], [sflag:$0x3] =	stream.indirect_vreg.gather [hbm4b:s14+s3], $0x80, v2, vm0, $0xb8;
	[tilespmem:$0x1A000] =	vst v63  }
0x11e: {  	s28 =	simm.s32 $0x17800  }
0x11f: {  	[tilespmem:s28], [sflag:$0x3] =	stream.indirect_vreg.gather [hbm4b:s15+s3], $0x80, v2, vm0, $0xb8;
	[tilespmem:$0x1A000] =	vst v63  }
0x120: {  	s28 =	simm.s32 $0x18000  }
0x121: {  	[tilespmem:s28], [sflag:$0x3] =	stream.indirect_vreg.gather [hbm4b:s16+s3], $0x80, v2, vm0, $0xb8;
	[tilespmem:$0x1A000] =	vst v63  }
0x122: {  	s28 =	simm.s32 $0x18800  }
0x123: {  	[tilespmem:s28], [sflag:$0x3] =	stream.indirect_vreg.gather [hbm4b:s17+s3], $0x80, v2, vm0, $0xb8;
	[tilespmem:$0x1A000] =	vst v63  }
.Ltmp6:
0x124: {  	_ = 	snop;
	(pc) =	sbr.rel .LBB2_6-.Ltmp6, $4  }
0x125: {  	s28 =	simm.s32 $0x19000  }
0x126: {  	[tilespmem:s28], [sflag:$0x3] =	stream.indirect_vreg.gather [hbm4b:s18+s3], $0x80, v2, vm0, $0xb8;
	[tilespmem:$0x1A000] =	vst v63  }
0x127: {  	s29 =	smov.u32 s21;
	s2 =	simm.s32 $0x12000;
	s28 =	simm.s32 $0x19800  }
0x128: {  	[tilespmem:s28], [sflag:$0x3] =	stream.indirect_vreg.gather [hbm4b:s19+s3], $0x80, v2, vm0, $0xb8;
	[tilespmem:$0x1A000] =	vst v63  }
.LBB2_8:
0x129: {  	_ =	sfence.sel $0x180000  }
0x12a: {  	[bflag:$0x0] =	sbarrier.arrive $0xFFFF  }
0x12b: {  	_ =	strace $0x90000047  }
0x12c: {  	s0 =	stileid.u32;
	[bflag:$0x2] =	sbarrier.arrive $0xFFFF  }
0x12d: {  	p0 =	sne.s32 s0, $0x0;
	s0 =	rddreg [dreg:$0x3]  }
0x12e: {  	s0 =	sadd.s32 @!p0 $0x100000, s0  }
0x12f: {  	[sflag:s0] =	ssyncadd.tile.s32 @!p0 $0x1;
	_ =	shalt  }
.Lfunc_end2:
_tile_overlayer_lowered:
.L_overlay_start_2:
0x130: {  	(tag) =	ssettag $0x2  }
0x131: {  	s0 =	rddreg [dreg:$0x0];
	s2 =	stileid.u32  }
0x132: {  	s1 =	rddreg [dreg:$0x1];
	p0 =	sne.s32 s2, $0x0  }
0x133: {  	s3 =	rddreg [dreg:$0x2];
	[bflag:$0x3] =	sbarrier.arrive $0xFFFF;
	s2 =	simm.s32 @!p0 $0x1C07  }
0x134: {  	[timem:s3], [sflag:s2] =	dma.local @!p0 [hbm:s0], s1  }
0x135: {  	s0 =	simm.s32 @!p0 $0x7  }
0x136: {  	_ =	swait.ge @!p0 [sflag:s0], s1  }
0x137: {  	s1 =	ssub.s32 @!p0 $0x0, s1;
	[sflag:s0] =	ssyncset.done @!p0 $0x0  }
0x138: {  	[sflag:s0] =	ssyncadd.s32 @!p0 s1  }
0x139: {  	[bflag:$0x3] =	sbarrier.arrive $0xFFFF  }
0x13a: {  	_ =	shalt  }

</sc_bundles>
